<compile_context>
chip_gen: v7x
topology: tpu7x:2x2x1
jax: 0.10.2.dev20260603
libtpu: 0.0.44.dev20260713+nightly
codegen_flags: <defaults>
</compile_context>

<pallas_src>
import functools

import jax
import jax.numpy as jnp
from jax import lax
from jax.experimental import pallas as pl
from jax.experimental.pallas import tpu as pltpu
from jax.experimental.pallas import tpu_sc as plsc

N_CODES = 1024
DIM = 64
ROWS = 18432
HW = 576
BLK = 3072
NB = ROWS // BLK
BETA_C = 0.25


def _argmin_body(zf_ref, embTs_ref, esq_ref, iota_ref, idx_ref, dsum_ref):
    zb = zf_ref[...]
    m = lax.dot_general(zb, embTs_ref[...],
                        dimension_numbers=(((1,), (0,)), ((), ())),
                        preferred_element_type=jnp.float32)
    z_sq = jnp.sum(zb * zb, axis=1, keepdims=True)
    dist = z_sq + m + esq_ref[...]
    dmin = jnp.min(dist, axis=1, keepdims=True)
    cand = jnp.where(dist == dmin, iota_ref[...], jnp.float32(N_CODES))
    idx_ref[...] = jnp.min(cand, axis=1).astype(jnp.int32)
    dsum_ref[0, 0, :] = jnp.broadcast_to(jnp.sum(dmin), (128,))


def _tc_argmin(z_flat, embTs, e_sq_row, iota_row):
    return pl.pallas_call(
        _argmin_body,
        grid=(NB,),
        in_specs=[
            pl.BlockSpec((BLK, DIM), lambda i: (i, 0)),
            pl.BlockSpec((DIM, N_CODES), lambda i: (0, 0)),
            pl.BlockSpec((1, N_CODES), lambda i: (0, 0)),
            pl.BlockSpec((1, N_CODES), lambda i: (0, 0)),
        ],
        out_specs=[
            pl.BlockSpec((BLK,), lambda i: (i,)),
            pl.BlockSpec((1, 1, 128), lambda i: (i, 0, 0)),
        ],
        out_shape=[
            jax.ShapeDtypeStruct((ROWS,), jnp.int32),
            jax.ShapeDtypeStruct((NB, 1, 128), jnp.float32),
        ],
    )(z_flat, embTs, e_sq_row, iota_row)


def _sc_gather_view(emb_pad, idxp):
    info = plsc.get_sparse_core_info()
    nc, ns = info.num_cores, info.num_subcores
    assert nc * ns == 32
    mesh = plsc.VectorSubcoreMesh(core_axis_name="c", subcore_axis_name="s")

    @functools.partial(
        pl.kernel, mesh=mesh,
        compiler_params=pltpu.CompilerParams(needs_layout_passes=False),
        out_type=jax.ShapeDtypeStruct((32, HW, 128), jnp.float32),
        scratch_types=[
            pltpu.VMEM((HW,), jnp.int32),
            pltpu.VMEM((HW, 128), jnp.float32),
            pltpu.VMEM((2, 64, 128), jnp.float32),
            pltpu.SemaphoreType.DMA,
            pltpu.SemaphoreType.DMA,
        ],
    )
    def gk(emb_hbm, idx_hbm, out_hbm, idx_v, rows_v, out_v, sem, osem):
        iota16 = lax.iota(jnp.int32, 16)
        b = lax.axis_index("s") * nc + lax.axis_index("c")
        pltpu.sync_copy(idx_hbm.at[pl.ds(b * HW, HW)], idx_v)
        pltpu.async_copy(emb_hbm.at[idx_v], rows_v, sem).wait()

        def k0_body(k0, carry):
            slot = lax.rem(k0, 2)
            rows = [k0 * 64 + 16 * g + iota16 for g in range(4)]

            @plsc.parallel_loop(0, 64, unroll=4)
            def m0_body(m0):
                cols = jnp.full((16,), m0, jnp.int32)
                for g in range(4):
                    v = plsc.load_gather(rows_v, [rows[g], cols])
                    out_v[slot, m0, pl.ds(16 * g, 16)] = v

            pltpu.async_copy(out_v.at[slot],
                             out_hbm.at[b, pl.ds(k0 * 64, 64)], osem)

            @pl.when(k0 >= 1)
            def _():
                pltpu.make_async_copy(
                    out_v.at[0], out_hbm.at[b, pl.ds(0, 64)], osem).wait()

            return carry

        lax.fori_loop(0, 9, k0_body, 0)
        pltpu.make_async_copy(
            out_v.at[0], out_hbm.at[b, pl.ds(0, 64)], osem).wait()

    return gk(emb_pad, idxp)


def kernel(z, emb):
    z_flat = jnp.transpose(z, (0, 2, 3, 1)).reshape(ROWS, DIM)
    embTs = emb.T * jnp.float32(-2.0)
    e_sq_row = jnp.sum(emb * emb, axis=1).reshape(1, N_CODES)
    iota_row = jnp.arange(N_CODES, dtype=jnp.float32).reshape(1, N_CODES)
    idx1, dsum3 = _tc_argmin(z_flat, embTs, e_sq_row, iota_row)
    idxp = (idx1.reshape(32, 64, 9).transpose(0, 2, 1)).reshape(ROWS)
    emb_pad = jnp.pad(emb, ((0, 0), (0, 128 - DIM)))
    out_sc = _sc_gather_view(emb_pad, idxp)
    quantized_st = (out_sc[:, :, :DIM]
                    .reshape(32, 24, 24, DIM)
                    .transpose(0, 3, 1, 2))
    total = jnp.sum(dsum3[:, 0, 0])
    codebook_loss = (total / jnp.float32(ROWS * DIM)).astype(jnp.float32)
    commitment_loss = (jnp.float32(BETA_C) * codebook_loss).astype(jnp.float32)
    return (quantized_st, commitment_loss, codebook_loss,
            jnp.float32(0.0), jnp.float32(0.0))

# --- scband reference (transcript-rebuilt; emitter-appended) ---
"""Pipeline reference for scband-vector-quantizer-82197084111269 (READ-ONLY COPY).

The authoritative reference and input builder live on the scoring server;
editing this copy changes nothing except your own understanding.
"""

import jax, jax.numpy as jnp
import numpy as np

NUM_EMBEDDINGS = 1024
EMBEDDING_DIM = 64
BETA = 0.25


def setup_inputs(seed: int = 0) -> dict:
    key = jax.random.key(seed)
    k1, k2 = jax.random.split(key)
    z = jax.random.normal(k1, (32, 64, 24, 24), dtype=jnp.float32)
    emb = jax.random.uniform(k2, (NUM_EMBEDDINGS, EMBEDDING_DIM), dtype=jnp.float32,
                             minval=-1.0 / NUM_EMBEDDINGS, maxval=1.0 / NUM_EMBEDDINGS)
    return {"z": z, "emb": emb}


def reference(z, emb):
    # eval-mode forward of VectorQuantizer (no EMA updates / usage tracking)
    B, C, H, W = z.shape
    z_flattened = jnp.transpose(z, (0, 2, 3, 1)).reshape(-1, EMBEDDING_DIM)
    dist = (jnp.sum(z_flattened ** 2, axis=1, keepdims=True)
            - 2.0 * jnp.matmul(z_flattened, emb.T)
            + jnp.sum(emb ** 2, axis=1))
    encoding_indices = jnp.argmin(dist, axis=1)
    quantized_embeddings = jnp.take(emb, encoding_indices, axis=0)
    # faithful to torch: .view(z.shape) reinterprets flat buffer in NCHW order
    quantized = quantized_embeddings.reshape(z.shape)
    codebook_loss = jnp.mean((quantized_embeddings - jax.lax.stop_gradient(z_flattened)) ** 2)
    commitment_loss = BETA * jnp.mean((z_flattened - jax.lax.stop_gradient(quantized_embeddings)) ** 2)
    quantized_straight_through = z + jax.lax.stop_gradient(quantized - z)
    batch_usage_percent = jnp.float32(0.0)
    cumulative_epoch_usage_percent = jnp.float32(0.0)
    return (quantized_straight_through, commitment_loss, codebook_loss,
            batch_usage_percent, cumulative_epoch_usage_percent)

if __name__ == "__main__":
    import jax
    _d = setup_inputs()
    print(jax.jit(kernel)(*tuple(_d.values())))

</pallas_src>

<mosaic_0001>
#map = affine_map<(d0, d1) -> (0, 0)>
#map1 = affine_map<(d0, d1) -> (0)>
#map2 = affine_map<(d0, d1) -> (0, 0, 0)>
module attributes {stable_mosaic.version = 14 : i64} {
  func.func @gk(%arg0: i32, %arg1: i32, %arg2: memref<1024x128xf32, #tpu.memory_space<hbm>>, %arg3: memref<18432xi32, #tpu.memory_space<hbm>>, %arg4: memref<32x576x128xf32, #tpu.memory_space<hbm>>, %arg5: memref<576xi32, #tpu.memory_space<vmem>>, %arg6: memref<576x128xf32, #tpu.memory_space<vmem>>, %arg7: memref<2x64x128xf32, #tpu.memory_space<vmem>>, %arg8: memref<!tpu.dma_semaphore, #tpu.memory_space<semaphore_mem>>, %arg9: memref<!tpu.dma_semaphore, #tpu.memory_space<semaphore_mem>>) attributes {dimension_semantics = [#tpu.dimension_semantics<core_parallel>, #tpu.dimension_semantics<subcore_parallel>], iteration_bounds = array<i64: 2, 16>, scalar_prefetch = 0 : i64, scratch_operands = 5 : i64, tpu.core_type = #tpu.core_type<sc_vector_subcore>, window_params = [{transform_indices = #map}, {transform_indices = #map1}, {transform_indices = #map2}]} {
    %iota3A = tpu.iota {dimensions = array<i32: 0>} : vector<16xi32>
    %mul3A = arith.constant 2 : i32
    %mul3A_0 = arith.muli %arg1, %mul3A : i32
    %add3A = arith.addi %mul3A_0, %arg0 : i32
    %mul3A_1 = arith.constant 576 : i32
    %mul3A_2 = arith.muli %add3A, %mul3A_1 : i32
    "tpu.region"() ({
      %run_scoped3A = tpu.sem_alloc : memref<!tpu.dma_semaphore, #tpu.memory_space<semaphore_mem>>
      %dma_start3A_29 = tpu.memref_slice %arg3[%mul3A_2] : memref<18432xi32, #tpu.memory_space<hbm>> -> memref<576xi32, #tpu.memory_space<hbm>>
      %dma_start3A_30 = tpu.memref_slice %arg3[%mul3A_2] : memref<18432xi32, #tpu.memory_space<hbm>> -> memref<576xi32, #tpu.memory_space<hbm>>
      tpu.enqueue_dma source(%dma_start3A_30 : memref<576xi32, #tpu.memory_space<hbm>>) target(%arg5 : memref<576xi32, #tpu.memory_space<vmem>>) target_semaphore(%run_scoped3A : memref<!tpu.dma_semaphore, #tpu.memory_space<semaphore_mem>>)
      %dma_wait3A_31 = tpu.memref_slice %arg3[%mul3A_2] : memref<18432xi32, #tpu.memory_space<hbm>> -> memref<576xi32, #tpu.memory_space<hbm>>
      %dma_wait3A_32 = tpu.memref_slice %arg3[%mul3A_2] : memref<18432xi32, #tpu.memory_space<hbm>> -> memref<576xi32, #tpu.memory_space<hbm>>
      tpu.wait_dma2 semaphore(%run_scoped3A : memref<!tpu.dma_semaphore, #tpu.memory_space<semaphore_mem>>) src(%dma_wait3A_32 : memref<576xi32, #tpu.memory_space<hbm>>) dst(%arg5 : memref<576xi32, #tpu.memory_space<vmem>>)
      tpu.yield
    }) : () -> ()
    %dma_start3A = arith.constant 0 : i32
    %dma_start3A_3 = arith.constant 0 : i32
    %dma_start3A_4 = tpu.memref_slice %arg2[%dma_start3A, %dma_start3A_3] : memref<1024x128xf32, #tpu.memory_space<hbm>> -> memref<1024x128xf32, #tpu.memory_space<hbm>>
    tpu.enqueue_indirect_dma source(%dma_start3A_4 : memref<1024x128xf32, #tpu.memory_space<hbm>>) target(%arg6 : memref<576x128xf32, #tpu.memory_space<vmem>>) offsets(%arg5 : memref<576xi32, #tpu.memory_space<vmem>>) semaphore(%arg8 : memref<!tpu.dma_semaphore, #tpu.memory_space<semaphore_mem>>)
    %dma_wait3A = arith.constant 0 : i32
    %dma_wait3A_5 = arith.constant 0 : i32
    %dma_wait3A_6 = tpu.memref_slice %arg2[%dma_wait3A, %dma_wait3A_5] : memref<1024x128xf32, #tpu.memory_space<hbm>> -> memref<1024x128xf32, #tpu.memory_space<hbm>>
    tpu.wait_indirect_dma semaphore(%arg8 : memref<!tpu.dma_semaphore, #tpu.memory_space<semaphore_mem>>) src(%dma_wait3A_6 : memref<1024x128xf32, #tpu.memory_space<hbm>>) dst(%arg6 : memref<576x128xf32, #tpu.memory_space<vmem>>)
    %scan3A = arith.constant 0 : i32
    %scan3A_7 = arith.constant 0 : i32
    %scan3A_8 = arith.constant 9 : i32
    %scan3A_9 = arith.addi %scan3A_7, %scan3A_8 : i32
    %scan3A_10 = arith.constant 1 : i32
    scf.for %scan3A_29 = %scan3A_7 to %scan3A_9 step %scan3A_10  : i32 {
      %rem3A = arith.constant 2 : i32
      %rem3A_30 = arith.remsi %scan3A_29, %rem3A : i32
      %mul3A_31 = arith.constant 64 : i32
      %mul3A_32 = arith.muli %scan3A_29, %mul3A_31 : i32
      %add3A_33 = arith.constant 0 : i32
      %add3A_34 = arith.addi %mul3A_32, %add3A_33 : i32
      %add3A_35 = vector.broadcast %add3A_34 : i32 to vector<16xi32>
      %add3A_36 = arith.addi %add3A_35, %iota3A : vector<16xi32>
      %mul3A_37 = arith.constant 64 : i32
      %mul3A_38 = arith.muli %scan3A_29, %mul3A_37 : i32
      %add3A_39 = arith.constant 16 : i32
      %add3A_40 = arith.addi %mul3A_38, %add3A_39 : i32
      %add3A_41 = vector.broadcast %add3A_40 : i32 to vector<16xi32>
      %add3A_42 = arith.addi %add3A_41, %iota3A : vector<16xi32>
      %mul3A_43 = arith.constant 64 : i32
      %mul3A_44 = arith.muli %scan3A_29, %mul3A_43 : i32
      %add3A_45 = arith.constant 32 : i32
      %add3A_46 = arith.addi %mul3A_44, %add3A_45 : i32
      %add3A_47 = vector.broadcast %add3A_46 : i32 to vector<16xi32>
      %add3A_48 = arith.addi %add3A_47, %iota3A : vector<16xi32>
      %mul3A_49 = arith.constant 64 : i32
      %mul3A_50 = arith.muli %scan3A_29, %mul3A_49 : i32
      %add3A_51 = arith.constant 48 : i32
      %add3A_52 = arith.addi %mul3A_50, %add3A_51 : i32
      %add3A_53 = vector.broadcast %add3A_52 : i32 to vector<16xi32>
      %add3A_54 = arith.addi %add3A_53, %iota3A : vector<16xi32>
      %parallel_loop3A = arith.constant 0 : i32
      %parallel_loop3A_55 = arith.constant 64 : i32
      %parallel_loop3A_56 = arith.constant 1 : i32
      scf.for %parallel_loop3A_75 = %parallel_loop3A to %parallel_loop3A_55 step %parallel_loop3A_56  : i32 {
        %parallel_loop3A_76 = vector.broadcast %parallel_loop3A_75 : i32 to vector<16xi32>
        %parallel_loop3A_77 = tpu.vector_load_idx %arg6[%add3A_36, %parallel_loop3A_76] : memref<576x128xf32, #tpu.memory_space<vmem>>[vector<16xi32>, vector<16xi32>], vector<16xf32>,
        %parallel_loop3A_78 = arith.index_cast %rem3A_30 : i32 to index
        %parallel_loop3A_79 = arith.index_cast %parallel_loop3A_75 : i32 to index
        %parallel_loop3A_80 = arith.constant 0 : index
        %parallel_loop3A_81 = tpu.vector_load %arg7[%parallel_loop3A_78, %parallel_loop3A_79, %parallel_loop3A_80] {strides = array<i32>} : memref<2x64x128xf32, #tpu.memory_space<vmem>>, vector<16xf32>,
        tpu.vector_store %arg7[%parallel_loop3A_78, %parallel_loop3A_79, %parallel_loop3A_80], %parallel_loop3A_77 {strides = array<i32>} : memref<2x64x128xf32, #tpu.memory_space<vmem>>, vector<16xf32>,
        %parallel_loop3A_82 = tpu.vector_load_idx %arg6[%add3A_42, %parallel_loop3A_76] : memref<576x128xf32, #tpu.memory_space<vmem>>[vector<16xi32>, vector<16xi32>], vector<16xf32>,
        %parallel_loop3A_83 = arith.index_cast %rem3A_30 : i32 to index
        %parallel_loop3A_84 = arith.index_cast %parallel_loop3A_75 : i32 to index
        %parallel_loop3A_85 = arith.constant 16 : index
        %parallel_loop3A_86 = tpu.vector_load %arg7[%parallel_loop3A_83, %parallel_loop3A_84, %parallel_loop3A_85] {strides = array<i32>} : memref<2x64x128xf32, #tpu.memory_space<vmem>>, vector<16xf32>,
        tpu.vector_store %arg7[%parallel_loop3A_83, %parallel_loop3A_84, %parallel_loop3A_85], %parallel_loop3A_82 {strides = array<i32>} : memref<2x64x128xf32, #tpu.memory_space<vmem>>, vector<16xf32>,
        %parallel_loop3A_87 = tpu.vector_load_idx %arg6[%add3A_48, %parallel_loop3A_76] : memref<576x128xf32, #tpu.memory_space<vmem>>[vector<16xi32>, vector<16xi32>], vector<16xf32>,
        %parallel_loop3A_88 = arith.index_cast %rem3A_30 : i32 to index
        %parallel_loop3A_89 = arith.index_cast %parallel_loop3A_75 : i32 to index
        %parallel_loop3A_90 = arith.constant 32 : index
        %parallel_loop3A_91 = tpu.vector_load %arg7[%parallel_loop3A_88, %parallel_loop3A_89, %parallel_loop3A_90] {strides = array<i32>} : memref<2x64x128xf32, #tpu.memory_space<vmem>>, vector<16xf32>,
        tpu.vector_store %arg7[%parallel_loop3A_88, %parallel_loop3A_89, %parallel_loop3A_90], %parallel_loop3A_87 {strides = array<i32>} : memref<2x64x128xf32, #tpu.memory_space<vmem>>, vector<16xf32>,
        %parallel_loop3A_92 = tpu.vector_load_idx %arg6[%add3A_54, %parallel_loop3A_76] : memref<576x128xf32, #tpu.memory_space<vmem>>[vector<16xi32>, vector<16xi32>], vector<16xf32>,
        %parallel_loop3A_93 = arith.index_cast %rem3A_30 : i32 to index
        %parallel_loop3A_94 = arith.index_cast %parallel_loop3A_75 : i32 to index
        %parallel_loop3A_95 = arith.constant 48 : index
        %parallel_loop3A_96 = tpu.vector_load %arg7[%parallel_loop3A_93, %parallel_loop3A_94, %parallel_loop3A_95] {strides = array<i32>} : memref<2x64x128xf32, #tpu.memory_space<vmem>>, vector<16xf32>,
        tpu.vector_store %arg7[%parallel_loop3A_93, %parallel_loop3A_94, %parallel_loop3A_95], %parallel_loop3A_92 {strides = array<i32>} : memref<2x64x128xf32, #tpu.memory_space<vmem>>, vector<16xf32>,
      } {sc.loop_unroll_factor = 4 : i64, sc.parallel_access}
      %mul3A_57 = arith.constant 64 : i32
      %mul3A_58 = arith.muli %scan3A_29, %mul3A_57 : i32
      %dma_start3A_59 = arith.constant 0 : i32
      %dma_start3A_60 = arith.constant 0 : i32
      %dma_start3A_61 = tpu.memref_slice %arg7[%rem3A_30, %dma_start3A_59, %dma_start3A_60] : memref<2x64x128xf32, #tpu.memory_space<vmem>> -> memref<1x64x128xf32, #tpu.memory_space<vmem>>
      %dma_start3A_62 = tpu.memref_squeeze %dma_start3A_61 : memref<1x64x128xf32, #tpu.memory_space<vmem>> -> memref<64x128xf32, #tpu.memory_space<vmem>>
      %dma_start3A_63 = arith.constant 0 : i32
      %dma_start3A_64 = tpu.memref_slice %arg4[%add3A, %mul3A_58, %dma_start3A_63] : memref<32x576x128xf32, #tpu.memory_space<hbm>> -> memref<1x64x128xf32, #tpu.memory_space<hbm>>
      %dma_start3A_65 = tpu.memref_squeeze %dma_start3A_64 : memref<1x64x128xf32, #tpu.memory_space<hbm>> -> memref<64x128xf32, #tpu.memory_space<hbm>>
      %dma_start3A_66 = arith.constant 0 : i32
      %dma_start3A_67 = tpu.memref_slice %arg4[%add3A, %mul3A_58, %dma_start3A_66] : memref<32x576x128xf32, #tpu.memory_space<hbm>> -> memref<1x64x128xf32, #tpu.memory_space<hbm>>
      %dma_start3A_68 = tpu.memref_squeeze %dma_start3A_67 : memref<1x64x128xf32, #tpu.memory_space<hbm>> -> memref<64x128xf32, #tpu.memory_space<hbm>>
      %dma_start3A_69 = arith.constant 0 : i32
      %dma_start3A_70 = arith.constant 0 : i32
      %dma_start3A_71 = tpu.memref_slice %arg7[%rem3A_30, %dma_start3A_69, %dma_start3A_70] : memref<2x64x128xf32, #tpu.memory_space<vmem>> -> memref<1x64x128xf32, #tpu.memory_space<vmem>>
      %dma_start3A_72 = tpu.memref_squeeze %dma_start3A_71 : memref<1x64x128xf32, #tpu.memory_space<vmem>> -> memref<64x128xf32, #tpu.memory_space<vmem>>
      tpu.enqueue_dma source(%dma_start3A_72 : memref<64x128xf32, #tpu.memory_space<vmem>>) target(%dma_start3A_68 : memref<64x128xf32, #tpu.memory_space<hbm>>) target_semaphore(%arg9 : memref<!tpu.dma_semaphore, #tpu.memory_space<semaphore_mem>>)
      %ge3A = arith.constant 1 : i32
      %ge3A_73 = arith.cmpi sge, %scan3A_29, %ge3A : i32
      %convert_element_type3A = arith.extui %ge3A_73 : i1 to i32
      %cond3A = arith.constant 0 : i32
      %cond3A_74 = arith.cmpi ne, %convert_element_type3A, %cond3A : i32
      scf.if %cond3A_74 {
        %dma_wait3A_75 = arith.constant 0 : i32
        %dma_wait3A_76 = arith.constant 0 : i32
        %dma_wait3A_77 = arith.constant 0 : i32
        %dma_wait3A_78 = tpu.memref_slice %arg7[%dma_wait3A_75, %dma_wait3A_76, %dma_wait3A_77] : memref<2x64x128xf32, #tpu.memory_space<vmem>> -> memref<1x64x128xf32, #tpu.memory_space<vmem>>
        %dma_wait3A_79 = tpu.memref_squeeze %dma_wait3A_78 : memref<1x64x128xf32, #tpu.memory_space<vmem>> -> memref<64x128xf32, #tpu.memory_space<vmem>>
        %dma_wait3A_80 = arith.constant 0 : i32
        %dma_wait3A_81 = arith.constant 0 : i32
        %dma_wait3A_82 = tpu.memref_slice %arg4[%add3A, %dma_wait3A_80, %dma_wait3A_81] : memref<32x576x128xf32, #tpu.memory_space<hbm>> -> memref<1x64x128xf32, #tpu.memory_space<hbm>>
        %dma_wait3A_83 = tpu.memref_squeeze %dma_wait3A_82 : memref<1x64x128xf32, #tpu.memory_space<hbm>> -> memref<64x128xf32, #tpu.memory_space<hbm>>
        %dma_wait3A_84 = arith.constant 0 : i32
        %dma_wait3A_85 = arith.constant 0 : i32
        %dma_wait3A_86 = tpu.memref_slice %arg4[%add3A, %dma_wait3A_84, %dma_wait3A_85] : memref<32x576x128xf32, #tpu.memory_space<hbm>> -> memref<1x64x128xf32, #tpu.memory_space<hbm>>
        %dma_wait3A_87 = tpu.memref_squeeze %dma_wait3A_86 : memref<1x64x128xf32, #tpu.memory_space<hbm>> -> memref<64x128xf32, #tpu.memory_space<hbm>>
        %dma_wait3A_88 = arith.constant 0 : i32
        %dma_wait3A_89 = arith.constant 0 : i32
        %dma_wait3A_90 = tpu.memref_slice %arg7[%dma_wait3A_75, %dma_wait3A_88, %dma_wait3A_89] : memref<2x64x128xf32, #tpu.memory_space<vmem>> -> memref<1x64x128xf32, #tpu.memory_space<vmem>>
        %dma_wait3A_91 = tpu.memref_squeeze %dma_wait3A_90 : memref<1x64x128xf32, #tpu.memory_space<vmem>> -> memref<64x128xf32, #tpu.memory_space<vmem>>
        tpu.wait_dma2 semaphore(%arg9 : memref<!tpu.dma_semaphore, #tpu.memory_space<semaphore_mem>>) src(%dma_wait3A_91 : memref<64x128xf32, #tpu.memory_space<vmem>>) dst(%dma_wait3A_87 : memref<64x128xf32, #tpu.memory_space<hbm>>)
      } else {
      }
    }
    %scan3A_11 = arith.constant 9 : i32
    %dma_wait3A_12 = arith.constant 0 : i32
    %dma_wait3A_13 = arith.constant 0 : i32
    %dma_wait3A_14 = arith.constant 0 : i32
    %dma_wait3A_15 = tpu.memref_slice %arg7[%dma_wait3A_12, %dma_wait3A_13, %dma_wait3A_14] : memref<2x64x128xf32, #tpu.memory_space<vmem>> -> memref<1x64x128xf32, #tpu.memory_space<vmem>>
    %dma_wait3A_16 = tpu.memref_squeeze %dma_wait3A_15 : memref<1x64x128xf32, #tpu.memory_space<vmem>> -> memref<64x128xf32, #tpu.memory_space<vmem>>
    %dma_wait3A_17 = arith.constant 0 : i32
    %dma_wait3A_18 = arith.constant 0 : i32
    %dma_wait3A_19 = tpu.memref_slice %arg4[%add3A, %dma_wait3A_17, %dma_wait3A_18] : memref<32x576x128xf32, #tpu.memory_space<hbm>> -> memref<1x64x128xf32, #tpu.memory_space<hbm>>
    %dma_wait3A_20 = tpu.memref_squeeze %dma_wait3A_19 : memref<1x64x128xf32, #tpu.memory_space<hbm>> -> memref<64x128xf32, #tpu.memory_space<hbm>>
    %dma_wait3A_21 = arith.constant 0 : i32
    %dma_wait3A_22 = arith.constant 0 : i32
    %dma_wait3A_23 = tpu.memref_slice %arg4[%add3A, %dma_wait3A_21, %dma_wait3A_22] : memref<32x576x128xf32, #tpu.memory_space<hbm>> -> memref<1x64x128xf32, #tpu.memory_space<hbm>>
    %dma_wait3A_24 = tpu.memref_squeeze %dma_wait3A_23 : memref<1x64x128xf32, #tpu.memory_space<hbm>> -> memref<64x128xf32, #tpu.memory_space<hbm>>
    %dma_wait3A_25 = arith.constant 0 : i32
    %dma_wait3A_26 = arith.constant 0 : i32
    %dma_wait3A_27 = tpu.memref_slice %arg7[%dma_wait3A_12, %dma_wait3A_25, %dma_wait3A_26] : memref<2x64x128xf32, #tpu.memory_space<vmem>> -> memref<1x64x128xf32, #tpu.memory_space<vmem>>
    %dma_wait3A_28 = tpu.memref_squeeze %dma_wait3A_27 : memref<1x64x128xf32, #tpu.memory_space<vmem>> -> memref<64x128xf32, #tpu.memory_space<vmem>>
    tpu.wait_dma2 semaphore(%arg9 : memref<!tpu.dma_semaphore, #tpu.memory_space<semaphore_mem>>) src(%dma_wait3A_28 : memref<64x128xf32, #tpu.memory_space<vmem>>) dst(%dma_wait3A_24 : memref<64x128xf32, #tpu.memory_space<hbm>>)
    return
  }
}

module attributes {stable_mosaic.version = 14 : i64} {
  func.func @_argmin_body(%arg0: i32, %arg1: memref<3072x64xf32, #tpu.memory_space<vmem>>, %arg2: memref<64x1024xf32, #tpu.memory_space<vmem>>, %arg3: memref<1x1024xf32, #tpu.memory_space<vmem>>, %arg4: memref<1x1024xf32, #tpu.memory_space<vmem>>, %arg5: memref<3072xi32, #tpu.memory_space<vmem>>, %arg6: memref<1x1x128xf32, #tpu.memory_space<vmem>>) attributes {dimension_semantics = [#tpu.dimension_semantics<arbitrary>], iteration_bounds = array<i64: 6>, scalar_prefetch = 0 : i64, scratch_operands = 0 : i64, tpu.core_type = #tpu.core_type<tc>, window_params = [{transform_indices = @transform_0, window_bounds = array<i64: 3072, 64>}, {pipeline_mode = #tpu.pipeline_mode<synchronous>, transform_indices = @transform_1, window_bounds = array<i64: 64, 1024>}, {pipeline_mode = #tpu.pipeline_mode<synchronous>, transform_indices = @transform_2, window_bounds = array<i64: 1, 1024>}, {pipeline_mode = #tpu.pipeline_mode<synchronous>, transform_indices = @transform_3, window_bounds = array<i64: 1, 1024>}, {transform_indices = @transform_4, window_bounds = array<i64: 3072>}, {transform_indices = @transform_5, window_bounds = array<i64: 1, 1, 128>}]} {
    %get3A = arith.constant 0 : index
    %get3A_0 = arith.constant 0 : index
    %get3A_1 = vector.load %arg1[%get3A, %get3A_0] : memref<3072x64xf32, #tpu.memory_space<vmem>>, vector<3072x64xf32>
    %get3A_2 = arith.constant 0 : index
    %get3A_3 = arith.constant 0 : index
    %get3A_4 = vector.load %arg2[%get3A_2, %get3A_3] : memref<64x1024xf32, #tpu.memory_space<vmem>>, vector<64x1024xf32>
    %dot_general3A = arith.constant dense<0.000000e+00> : vector<3072x1024xf32>
    %dot_general3A_5 = tpu.matmul %get3A_1, %get3A_4, %dot_general3A {dimension_numbers = #tpu.dot_dimension_numbers<[1], [0], [0], [1], [0, 0, 1, 1], [], []>, transpose_lhs_hint = false} : vector<3072x64xf32>, vector<64x1024xf32>, vector<3072x1024xf32> -> vector<3072x1024xf32>
    %mul3A = arith.mulf %get3A_1, %get3A_1 : vector<3072x64xf32>
    %reduce_sum3A = arith.constant dense<0.000000e+00> : vector<3072xf32>
    %reduce_sum3A_6 = vector.multi_reduction <add>, %mul3A, %reduce_sum3A [1] : vector<3072x64xf32> to vector<3072xf32>
    %broadcast_in_dim3A = vector.shape_cast %reduce_sum3A_6 : vector<3072xf32> to vector<3072x1xf32>
    %add3A = vector.broadcast %broadcast_in_dim3A : vector<3072x1xf32> to vector<3072x1024xf32>
    %add3A_7 = arith.addf %add3A, %dot_general3A_5 : vector<3072x1024xf32>
    %get3A_8 = arith.constant 0 : index
    %get3A_9 = arith.constant 0 : index
    %get3A_10 = vector.load %arg3[%get3A_8, %get3A_9] : memref<1x1024xf32, #tpu.memory_space<vmem>>, vector<1x1024xf32>
    %add3A_11 = vector.broadcast %get3A_10 : vector<1x1024xf32> to vector<3072x1024xf32>
    %add3A_12 = arith.addf %add3A_7, %add3A_11 : vector<3072x1024xf32>
    %reduce_min3A = arith.constant dense<0x7F800000> : vector<3072xf32>
    %reduce_min3A_13 = vector.multi_reduction <minimumf>, %add3A_12, %reduce_min3A [1] : vector<3072x1024xf32> to vector<3072xf32>
    %broadcast_in_dim3A_14 = vector.shape_cast %reduce_min3A_13 : vector<3072xf32> to vector<3072x1xf32>
    %eq3A = vector.broadcast %broadcast_in_dim3A_14 : vector<3072x1xf32> to vector<3072x1024xf32>
    %eq3A_15 = arith.cmpf oeq, %add3A_12, %eq3A : vector<3072x1024xf32>
    %get3A_16 = arith.constant 0 : index
    %get3A_17 = arith.constant 0 : index
    %get3A_18 = vector.load %arg4[%get3A_16, %get3A_17] : memref<1x1024xf32, #tpu.memory_space<vmem>>, vector<1x1024xf32>
    %jit3A = arith.constant 1.024000e+03 : f32
    %broadcast_in_dim3A_19 = vector.shape_cast %get3A_18 : vector<1x1024xf32> to vector<1x1024xf32>
    %broadcast_in_dim3A_20 = vector.broadcast %broadcast_in_dim3A_19 : vector<1x1024xf32> to vector<3072x1024xf32>
    %broadcast_in_dim3A_21 = vector.broadcast %jit3A : f32 to vector<3072x1024xf32>
    %select_n3A = arith.select %eq3A_15, %broadcast_in_dim3A_20, %broadcast_in_dim3A_21 : vector<3072x1024xi1>, vector<3072x1024xf32>
    %reduce_min3A_22 = arith.constant dense<0x7F800000> : vector<3072xf32>
    %reduce_min3A_23 = vector.multi_reduction <minimumf>, %select_n3A, %reduce_min3A_22 [1] : vector<3072x1024xf32> to vector<3072xf32>
    %convert_element_type3A = arith.fptosi %reduce_min3A_23 : vector<3072xf32> to vector<3072xi32>
    %swap3A = arith.constant 0 : index
    %swap3A_24 = vector.load %arg5[%swap3A] : memref<3072xi32, #tpu.memory_space<vmem>>, vector<3072xi32>
    tpu.vector_store %arg5[%swap3A], %convert_element_type3A {strides = array<i32>} : memref<3072xi32, #tpu.memory_space<vmem>>, vector<3072xi32>,
    %reduce_sum3A_25 = vector.shape_cast %broadcast_in_dim3A_14 : vector<3072x1xf32> to vector<1x3072x1xf32>
    %reduce_sum3A_26 = arith.constant dense<0.000000e+00> : vector<1xf32>
    %reduce_sum3A_27 = vector.multi_reduction <add>, %reduce_sum3A_25, %reduce_sum3A_26 [1, 2] : vector<1x3072x1xf32> to vector<1xf32>
    %reduce_sum3A_28 = vector.shape_cast %reduce_sum3A_27 : vector<1xf32> to vector<1x1x1xf32>
    %reduce_sum3A_29 = vector.extract %reduce_sum3A_28[0, 0, 0] : f32 from vector<1x1x1xf32>
    %broadcast_in_dim3A_30 = vector.broadcast %reduce_sum3A_29 : f32 to vector<128xf32>
    %swap3A_31 = arith.constant 0 : index
    %swap3A_32 = arith.constant 0 : index
    %swap3A_33 = arith.constant 0 : index
    %swap3A_34 = vector.load %arg6[%swap3A_31, %swap3A_32, %swap3A_33] : memref<1x1x128xf32, #tpu.memory_space<vmem>>, vector<1x1x128xf32>
    %swap3A_35 = vector.shape_cast %swap3A_34 : vector<1x1x128xf32> to vector<128xf32>
    %swap3A_36 = vector.shape_cast %broadcast_in_dim3A_30 : vector<128xf32> to vector<1x1x128xf32>
    tpu.vector_store %arg6[%swap3A_31, %swap3A_32, %swap3A_33], %swap3A_36 {strides = array<i32>} : memref<1x1x128xf32, #tpu.memory_space<vmem>>, vector<1x1x128xf32>,
    return
  }
  func.func @transform_0(%arg0: i32) -> (i32, i32) {
    %c0_i32 = arith.constant 0 : i32
    %c0_i32_0 = arith.constant 0 : i32
    return %arg0, %c0_i32 : i32, i32
  }
  func.func @transform_1(%arg0: i32) -> (i32, i32) {
    %c0_i32 = arith.constant 0 : i32
    %c0_i32_0 = arith.constant 0 : i32
    %c0_i32_1 = arith.constant 0 : i32
    return %c0_i32, %c0_i32_0 : i32, i32
  }
  func.func @transform_2(%arg0: i32) -> (i32, i32) {
    %c0_i32 = arith.constant 0 : i32
    %c0_i32_0 = arith.constant 0 : i32
    %c0_i32_1 = arith.constant 0 : i32
    return %c0_i32, %c0_i32_0 : i32, i32
  }
  func.func @transform_3(%arg0: i32) -> (i32, i32) {
    %c0_i32 = arith.constant 0 : i32
    %c0_i32_0 = arith.constant 0 : i32
    %c0_i32_1 = arith.constant 0 : i32
    return %c0_i32, %c0_i32_0 : i32, i32
  }
  func.func @transform_4(%arg0: i32) -> i32 {
    %c0_i32 = arith.constant 0 : i32
    return %arg0 : i32
  }
  func.func @transform_5(%arg0: i32) -> (i32, i32, i32) {
    %c0_i32 = arith.constant 0 : i32
    %c0_i32_0 = arith.constant 0 : i32
    %c0_i32_1 = arith.constant 0 : i32
    return %arg0, %c0_i32, %c0_i32_0 : i32, i32, i32
  }
}

</mosaic_0001>

<sc_bundles>
// kernel: kernel.4.cloned.1.call-start
scs
__scs_entry_jumppad:
0x0: {  	(pc) =	sbr.rel $0x88, $3  }
0x1: {  	(tag) =	ssettag $0x0;
	lr =	simm.s32 $0x1  }
0x2: {  	[smem:$0x3F9F] =	sst lr;
	_ =	strace $0xD0000000  }
0x3: {  	_ = 	snop  }
0x4: {  	_ = 	snop  }
0x5: {  	_ = 	snop  }
0x6: {  	_ = 	snop  }
0x7: {  	_ = 	snop  }
__scs_overlays_trampoline_lowered:
0x8: {  	[smem:$0x3FAE] =	sst s0  }
0x9: {  	[smem:$0x3FAF] =	sst s1  }
0xa: {  	[smem:$0x3FB0] =	sst s2  }
0xb: {  	[smem:$0x3FB1] =	sst s3  }
0xc: {  	[smem:$0x3FB2] =	sst s4  }
0xd: {  	[smem:$0x3FB3] =	sst s5  }
0xe: {  	[smem:$0x3FB4] =	sst s6  }
0xf: {  	[smem:$0x3FB5] =	sst s7  }
0x10: {  	[smem:$0x3FB6] =	sst s8  }
0x11: {  	[smem:$0x3FB7] =	sst s9;
	s0 =	simm.s32 @!p0 $0x0  }
0x12: {  	s1 =	sld [smem:$0x3F9D];
	s0 =	simm.s32 @p0 $0x1  }
0x13: {  	[smem:$0x3FB8] =	sst s0;
	s0 =	simm.s32 @!p1 $0x0  }
0x14: {  	s2 =	sld [smem:$0x3F9C];
	s0 =	simm.s32 @p1 $0x1  }
0x15: {  	[smem:$0x3FB9] =	sst s0;
	s0 =	simm.s32 @!p2 $0x0  }
0x16: {  	s3 =	sld [smem:$0x3FDB];
	s0 =	simm.s32 @p2 $0x1  }
0x17: {  	s4 =	simm.s32 $0x1BF5;
	[smem:$0x3FBB] =	sst s0  }
0x18: {  	s0 =	sld [smem:$0x3F9E];
	_ =	swait.ge [sflag:s4], $0x0  }
0x19: {  	s7 =	sld [smem:$0x3F9F]  }
0x1a: {  	s8 =	sadd.s32 $0xFFFFE003, lr  }
0x1b: {  	s9 =	sadd.s32 $0xFFFFFEF7, lr;
	s5 =	simm.s32 $0xFFFFFFFF;
	p2 =	slt.u32 s8, $0xFFFFF086  }
0x1c: {  	p1 =	slt.u32 s9, $0xF7A;
	s5 =	simm.s32 @!p2 $0x0  }
0x1d: {  	s5 =	simm.s32 @p1 $0x1;
	p0 =	seq.s32 s7, s2  }
0x1e: {  	s7 =	smul.u32 @!p0 $0xF7A, s2;
	p2 =	seq.s32 @!p0 s5, $0x0  }
0x1f: {  	s9 =	smul.u32 $0xF7A, s1;
	s8 =	simm.s32 @!p0 $0x1BF5;
	p2 =	por !p2, p0  }
0x20: {  	[sflag:s8] =	ssyncset.s32 @!p0 $0xFFFFF086;
	s6 =	sadd.s32 @!p0 s3, s7;
	s7 =	simm.s32 @!p0 $0x108  }
0x21: {  	s3 =	sadd.s32 s3, s9;
	s6 =	sadd.s32 @!p0 $0x88, s6;
	s7 =	simm.s32 @p2 $0x1082  }
0x22: {  	[simem:s7], [sflag:s8] =	dma.local @!p0 [hbm:s6], $0xF7A  }
0x23: {  	s9 =	sor.u32 $0xD0000000, s2;
	s6 =	simm.s32 $0x108;
	_ =	swait.ge @!p0 [sflag:s8], $0x0  }
0x24: {  	s3 =	sadd.s32 $0x88, s3;
	s6 =	simm.s32 @!p1 $0x1082;
	[sflag:s4] =	ssyncset.s32 $0xFFFFF086  }
0x25: {  	[simem:s6], [sflag:s4] =	dma.local [hbm:s3], $0xF7A  }
0x26: {  	[smem:$0x3F9F] =	sst s1;
	(tag) =	ssettag s2;
	_ =	strace s9  }
0x27: {  	s1 =	sld [smem:$0x3FAF]  }
0x28: {  	s2 =	sld [smem:$0x3FB0]  }
0x29: {  	s4 =	sld [smem:$0x3FB2]  }
0x2a: {  	p0 =	seq.s32 s5, $0x0;
	s5 =	sld [smem:$0x3FB3]  }
0x2b: {  	s6 =	sld [smem:$0x3FB4]  }
0x2c: {  	s7 =	sld [smem:$0x3FB5]  }
0x2d: {  	s3 =	simm.s32 $0x108;
	s8 =	sld [smem:$0x3FB6]  }
0x2e: {  	s3 =	simm.s32 @!p0 $0x1082;
	s9 =	sld [smem:$0x3FB7]  }
0x2f: {  	lr =	sadd.s32 s0, s3;
	s0 =	sld [smem:$0x3FAE]  }
0x30: {  	s3 =	sld [smem:$0x3FB1]  }
0x31: {  	[smem:$0x3FBA] =	sst s10  }
0x32: {  	s10 =	sld [smem:$0x3FB8];
	_ =	sdelay $0x3  }
0x33: {  	p0 =	seq.s32 s10, $0x1;
	s10 =	sld [smem:$0x3FBA];
	_ =	sdelay $0x3  }
0x34: {  	[smem:$0x3FBA] =	sst s10  }
0x35: {  	s10 =	sld [smem:$0x3FB9];
	_ =	sdelay $0x3  }
0x36: {  	p1 =	seq.s32 s10, $0x1;
	s10 =	sld [smem:$0x3FBA];
	_ =	sdelay $0x3  }
0x37: {  	[smem:$0x3FBA] =	sst s10  }
0x38: {  	s10 =	sld [smem:$0x3FBB]  }
0x39: {  	_ = 	snop;
	(pc) =	sbr.ind lr, $3  }
0x3a: {  	_ = 	snop  }
0x3b: {  	_ = 	snop  }
0x3c: {  	p2 =	seq.s32 s10, $0x1;
	s10 =	sld [smem:$0x3FBA]  }
0x3d: {  	_ =	shalt  }
0x3e: {  	_ =	shalt  }
0x3f: {  	_ =	shalt  }
0x40: {  	_ =	shalt  }
0x41: {  	_ =	shalt  }
0x42: {  	_ =	shalt  }
0x43: {  	_ =	shalt  }
0x44: {  	_ =	shalt  }
0x45: {  	_ =	shalt  }
0x46: {  	_ =	shalt  }
0x47: {  	_ =	shalt  }
0x48: {  	_ =	shalt  }
0x49: {  	_ =	shalt  }
0x4a: {  	_ =	shalt  }
0x4b: {  	_ =	shalt  }
0x4c: {  	_ =	shalt  }
0x4d: {  	_ =	shalt  }
0x4e: {  	_ =	shalt  }
0x4f: {  	_ =	shalt  }
0x50: {  	_ =	shalt  }
0x51: {  	_ =	shalt  }
0x52: {  	_ =	shalt  }
0x53: {  	_ =	shalt  }
0x54: {  	_ =	shalt  }
0x55: {  	_ =	shalt  }
0x56: {  	_ =	shalt  }
0x57: {  	_ =	shalt  }
0x58: {  	_ =	shalt  }
0x59: {  	_ =	shalt  }
0x5a: {  	_ =	shalt  }
0x5b: {  	_ =	shalt  }
0x5c: {  	_ =	shalt  }
0x5d: {  	_ =	shalt  }
0x5e: {  	_ =	shalt  }
0x5f: {  	_ =	shalt  }
0x60: {  	_ =	shalt  }
0x61: {  	_ =	shalt  }
0x62: {  	_ =	shalt  }
0x63: {  	_ =	shalt  }
0x64: {  	_ =	shalt  }
0x65: {  	_ =	shalt  }
0x66: {  	_ =	shalt  }
0x67: {  	_ =	shalt  }
0x68: {  	_ =	shalt  }
0x69: {  	_ =	shalt  }
0x6a: {  	_ =	shalt  }
0x6b: {  	_ =	shalt  }
0x6c: {  	_ =	shalt  }
0x6d: {  	_ =	shalt  }
0x6e: {  	_ =	shalt  }
0x6f: {  	_ =	shalt  }
0x70: {  	_ =	shalt  }
0x71: {  	_ =	shalt  }
0x72: {  	_ =	shalt  }
0x73: {  	_ =	shalt  }
0x74: {  	_ =	shalt  }
0x75: {  	_ =	shalt  }
0x76: {  	_ =	shalt  }
0x77: {  	_ =	shalt  }
0x78: {  	_ =	shalt  }
0x79: {  	_ =	shalt  }
0x7a: {  	_ =	shalt  }
0x7b: {  	_ =	shalt  }
0x7c: {  	_ =	shalt  }
0x7d: {  	_ =	shalt  }
0x7e: {  	_ =	shalt  }
0x7f: {  	_ =	shalt  }
0x80: {  	_ =	shalt  }
0x81: {  	_ =	shalt  }
0x82: {  	_ =	shalt  }
0x83: {  	_ =	shalt  }
0x84: {  	_ =	shalt  }
0x85: {  	_ =	shalt  }
0x86: {  	_ =	shalt  }
0x87: {  	_ =	shalt  }
.Lfunc_end0:
.L_simem_size_0:
called_computation_lowered:
.L_overlay_start_0:
0x88: {  	s2 =	sld [smem:$0x3FD9]  }
0x89: {  	s3 =	sld [smem:$0x3FFE];
	_ =	sdelay $0x1  }
0x8a: {  	s1 =	srdreg.scid  }
0x8b: {  	s0 =	sand.u32 $0x1, s1  }
0x8c: {  	s14 =	sshll.u32 s0, $0xA;
	s2 =	sadd.s32 s3, s2  }
0x8d: {  	s2 =	sadd.s32 s2, s14  }
0x8e: {  	[smem:$0x3FC6] =	sst s2  }
0x8f: {  	_ = 	snop  }
0x90: {  	s2 =	sld [smem:$0x3FD0];
	_ =	sdelay $0x2  }
0x91: {  	s15 =	simm.s32 $0xA;
	s4 =	simm.s32 $0x10  }
0x92: {  	[smem:s4], [sflag:s15] =	dma.local [hbm:s2], $0x1  }
0x93: {  	_ =	swait.eq [sflag:s15], $0x1  }
0x94: {  	[sflag:s15] =	ssyncset.done $0x0  }
0x95: {  	[sflag:s15] =	ssyncadd.s32 $0xFFFFFFFF  }
0x96: {  	s16 =	sld [smem:$0x10];
	(tm) =	ssettm $0x1  }
0x97: {  	s17 =	sld [smem:$0x3FFB];
	_ =	sdelay $0x3  }
0x98: {  	_ =	strace s17  }
0x99: {  	s3 =	sld [smem:$0x3FFC];
	_ =	sdelay $0x3  }
0x9a: {  	_ =	strace s3  }
0x9b: {  	s3 =	sld [smem:$0x3FFD];
	_ =	sdelay $0x3  }
0x9c: {  	_ =	strace s3  }
0x9d: {  	_ =	strace $0x8FFFFFFF  }
0x9e: {  	s18 =	sld [smem:$0x3FDB];
	_ =	sdelay $0x1  }
0x9f: {  	s19 =	simm.s32 $_scs_section_size  }
0xa0: {  	s5 =	simm.s32 $_size__tile_overlayer_lowered;
	s6 =	simm.s32 $_tile_overlayer_lowered  }
0xa1: {  	s22 =	simm.s32 $0x1BFF;
	s21 =	sshll.u32 s6, $0x1;
	s3 =	sadd.s32 s19, s18  }
0xa2: {  	s7 =	simm.s32 $0x0;
	s20 =	sshll.u32 s5, $0x1;
	s5 =	sadd.s32 s21, s3  }
0xa3: {  	[timem:s7], [sflag:s22] =	dma.local [hbm:s5], s20  }
0xa4: {  	_ =	swait.ge [sflag:s22], s20  }
0xa5: {  	s4 =	ssub.s32 $0x0, s20;
	[sflag:s22] =	ssyncset.done $0x0  }
0xa6: {  	[sflag:s22] =	ssyncadd.s32 s4;
	_ =	sdelay $0x1  }
0xa7: {  	s23 =	simm.s32 $0x1B8B  }
0xa8: {  	_ =	swait.ge [sflag:s23], $0x1  }
0xa9: {  	[sflag:s23] =	ssyncset.done $0x0  }
0xaa: {  	s25 =	simm.s32 $0x1B8E;
	s24 =	sld [smem:$0x3FFE];
	[sflag:s23] =	ssyncadd.s32 $0xFFFFFFFF  }
0xab: {  	s26 =	simm.s32 $execute0_lowered;
	[smem:$0x3FD2] =	sst s25  }
0xac: {  	s5 =	sshll.u32 s26, $0x1;
	_ =	strace $0x80000046;
	[dreg:$0x1] =	wrdreg $0xFFFFFFFF  }
0xad: {  	s28 =	simm.s32 $_size_execute0_lowered;
	s3 =	sadd.s32 s3, s5;
	[dreg:$0x0] =	wrdreg $0x0  }
0xae: {  	s5 =	sshll.u32 s28, $0x1;
	[dreg:$0x2] =	wrdreg s3  }
0xaf: {  	[dreg:$0x3] =	wrdreg s5  }
0xb0: {  	[dreg:$0x4] =	wrdreg $0xC0  }
0xb1: {  	_ =	task [dreg:s7], $0x5FFFF  }
0xb2: {  	[dreg:$0x1] =	wrdreg $0xFFFFFFFF  }
0xb3: {  	[dreg:$0x0] =	wrdreg $0x60  }
0xb4: {  	[dreg:$0x2] =	wrdreg s24  }
0xb5: {  	[dreg:$0x3] =	wrdreg s16  }
0xb6: {  	[dreg:$0x4] =	wrdreg $0x9  }
0xb7: {  	_ =	task.clear_ibuf [dreg:s7], $0x5FFFF;
	_ =	strace $0x90000046  }
0xb8: {  	s29 =	simm.s32 $0x9;
	_ =	strace $0x80000048  }
0xb9: {  	_ =	swait.ge [sflag:s29], $0x1  }
0xba: {  	[sflag:s29] =	ssyncadd.s32 $0xFFFFFFFF  }
0xbb: {  	_ =	strace $0x90000048  }
0xbc: {  	_ =	sfence  }
0xbd: {  	s30 =	sld [smem:$0x0];
	_ =	sdelay $0x2  }
0xbe: {  	s31 =	sshll.u32 s1, $0xD;
	s1 =	sshrl.u32 s1, $0x2  }
0xbf: {  	s3 =	sand.u32 $0x4000, s31;
	s1 =	sadd.s32 s1, s30  }
0xc0: {  	s0 =	sor.u32 s3, s0;
	s1 =	sshll.u32 s1, $0x11  }
0xc1: {  	s0 =	sor.u32 s1, s0  }
0xc2: {  	s0 =	sadd.s32 $0x8F2B, s0  }
0xc3: {  	[sflag:s0] =	ssyncadd.remote.s32 $0x1  }
0xc4: {  	_ =	sfence.sel $0xFFFF  }
0xc5: {  	[dreg:$0x0] =	wrdreg $0xFFFFFFFF;
	(pc) =	sbr.abs _section_cstart, $3  }
0xc6: {  	[dreg:$0x1] =	wrdreg $0xFFFFFFFF  }
0xc7: {  	_ =	task.clear_ibuf [dreg:s7], $0x2FFFF;
	_ =	strace $0x9FFFFFFF  }
0xc8: {  	(tm) =	ssettm $0x7FFFFFFF  }
0xc9: {  	_ =	shalt  }
tec
execute0_lowered:
.L_overlay_start_1:
0x0: {  	(tag) =	ssettag $0x1  }
0x1: {  	s5 =	rddreg [dreg:$0x0]  }
0x2: {  	s2 =	rddreg [dreg:$0x1]  }
0x3: {  	s3 =	srdreg.scid;
	s1 =	stileid.u32  }
0x4: {  	s0 =	rddreg [dreg:$0x2];
	s10 =	simm.s32 $0x280;
	s11 =	simm.s32 $0x1  }
0x5: {  	s12 =	simm.s32 $0x2;
	s13 =	simm.s32 $0x0;
	s4 =	sand.u32 $0x1, s3  }
0x6: {  	s6 =	sshll.u32 s1, $0x1;
	s3 =	simm.s32 $0x0;
	s7 =	ssub.s32 $0x2, s4  }
0x7: {  	s6 =	sor.u32 s4, s6;
	[smem:$0x7FF] =	sst s3;
	s4 =	sadd.s32 $0xA00, s5  }
0x8: {  	s8 =	sshrl.u32 s7, $0x1;
	s9 =	smul.u32 $0x48, s6;
	_ =	strace $0x80000047  }
0x9: {  	v0 =	vlaneseq.u32;
	s6 =	smul.u32 $0x12000, s6;
	s7 =	ssub.s32 s7, s8;
	s8 =	simm.s32 $0x3  }
0xa: {  	v0 =	vmul.u32 $0x80, v0;
	s5 =	sadd.s32 s5, s9;
	s7 =	smax.u32 s7, $0x1;
	s9 =	simm.s32 $0x240  }
.LBB2_1:
0xb: {  	[tilespmem:s3], [sflag:$0x3] =	stream.linear.gather [hbm4b:s5+s3], $0x240, $0x38;
	[tilespmem:$0x16280] =	vst v63  }
0xc: {  	_ =	swait.ge [sflag:s8], $0x240  }
0xd: {  	[sflag:s8] =	ssyncset.done $0x0  }
0xe: {  	[sflag:s8] =	ssyncadd.s32 $0xFFFFFDC0  }
0xf: {  	[tilespmem:s10], [sflag:$0x1] =	stream.indirect.gather [hbm4b:s4+s9], $0x80, s3, s9, $0xb8;
	[tilespmem:$0x16280] =	vst v63  }
0x10: {  	_ =	swait.ge [sflag:s11], $0x12000  }
0x11: {  	[sflag:s11] =	ssyncset.done $0x0  }
0x12: {  	p0 =	por $0x0, $0x0;
	s14 =	simm.s32 $0x0;
	[sflag:s11] =	ssyncadd.s32 $0xFFFEE000  }
.LBB2_2:
0x13: {  	s16 =	simm.s32 $0x3;
	s15 =	sshll.u32 s14, $0x6  }
0x14: {  	s17 =	simm.s32 $0x1;
	v1 =	vmov s16;
	v2 =	vmov s15  }
0x15: {  	s21 =	simm.s32 $0x2;
	v3 =	vmov s17;
	v1 =	vand.u32 $0x7F, v1;
	v2 =	vshll.u32 v2, $0x7  }
0x16: {  	v3 =	vand.u32 $0x7D, v3;
	v13 =	vbroadcast v1, $0x0;
	v1 =	vmov s21  }
0x17: {  	s22 =	simm.s32 $0x0;
	v2 =	vor.u32 v0, v2;
	v14 =	vbroadcast v3, $0x0;
	v1 =	vand.u32 $0x7E, v1  }
0x18: {  	v3 =	vmov s22;
	v4 =	vor.u32 v2, v13;
	v22 =	vbroadcast v1, $0x0  }
0x19: {  	v5 =	vor.u32 v2, v14;
	v1 =	vand.u32 $0x7C, v3  }
0x1a: {  	s23 =	sor.u32 $0x10, s15;
	v8 =	vbroadcast v1, $0x0;
	v6 =	vor.u32 v2, v22  }
0x1b: {  	s24 =	simm.s32 $0x5;
	v1 =	vmov s23  }
0x1c: {  	v7 =	vmov s24;
	v1 =	vshll.u32 v1, $0x7;
	v9 =	vor.u32 v2, v8  }
0x1d: {  	v3 =	vor.u32 v0, v1;
	v1 =	vand.u32 $0x7D, v7;
	v7 =	vld.idx.msk [tilespmem:v4+s10+$0x0], $0xffff  }
0x1e: {  	s25 =	simm.s32 $0x6;
	s16 =	simm.s32 $0x1;
	v11 =	vor.u32 v3, v13;
	v10 =	vld.idx.msk [tilespmem:v5+s10+$0x0], $0xffff;
	v4 =	vbroadcast v1, $0x0  }
0x1f: {  	s16 =	simm.s32 @!p0 $0x0;
	v12 =	vor.u32 v3, v14;
	v1 =	vmov s25;
	v6 =	vld.idx.msk [tilespmem:v6+s10+$0x0], $0xffff  }
0x20: {  	s18 =	sor.u32 $0x20, s15;
	s16 =	sshll.u32 s16, $0xD;
	v1 =	vand.u32 $0x7E, v1;
	v15 =	vor.u32 v2, v4  }
0x21: {  	s26 =	simm.s32 $0x7;
	s17 =	sadd.s32 $0x12380, s16;
	v17 =	vor.u32 v3, v22;
	v5 =	vmov s18;
	v1 =	vbroadcast v1, $0x0;
	v16 =	vld.idx.msk [tilespmem:v9+s10+$0x0], $0xffff  }
0x22: {  	v18 =	vor.u32 v3, v8;
	v5 =	vshll.u32 v5, $0x7;
	[tilespmem:s17+$0x80] =	vst v7;
	v7 =	vmov s26  }
0x23: {  	s28 =	simm.s32 $0x4;
	v5 =	vor.u32 v0, v5;
	v19 =	vor.u32 v2, v1;
	[tilespmem:s17+$0xFFFFFF80] =	vst v10;
	v20 =	vld.idx.msk [tilespmem:v11+s10+$0x0], $0xffff;
	v7 =	vand.u32 $0x7F, v7  }
0x24: {  	v23 =	vor.u32 v5, v13;
	v21 =	vld.idx.msk [tilespmem:v12+s10+$0x0], $0xffff;
	v9 =	vbroadcast v7, $0x0;
	[tilespmem:s17+$0x0] =	vst v6;
	v6 =	vmov s28  }
0x25: {  	s29 =	simm.s32 $0x9;
	v11 =	vld.idx.msk [tilespmem:v15+s10+$0x0], $0xffff;
	v15 =	vor.u32 v5, v14;
	v6 =	vand.u32 $0x7C, v6  }
0x26: {  	v7 =	vmov s29;
	[tilespmem:s17+$0xFFFFFF00] =	vst v16;
	v16 =	vld.idx.msk [tilespmem:v17+s10+$0x0], $0xffff;
	v17 =	vor.u32 v2, v9;
	v10 =	vbroadcast v6, $0x0  }
0x27: {  	s15 =	sor.u32 $0x30, s15;
	v24 =	vor.u32 v5, v22;
	v7 =	vand.u32 $0x7D, v7;
	v18 =	vld.idx.msk [tilespmem:v18+s10+$0x0], $0xffff  }
0x28: {  	v6 =	vmov s15;
	v12 =	vld.idx.msk [tilespmem:v19+s10+$0x0], $0xffff;
	v7 =	vbroadcast v7, $0x0;
	[tilespmem:s17+$0x90] =	vst v20;
	v20 =	vor.u32 v2, v10  }
0x29: {  	v19 =	vor.u32 v5, v8;
	v6 =	vshll.u32 v6, $0x7;
	[tilespmem:s17+$0xFFFFFF90] =	vst v21;
	v21 =	vld.idx.msk [tilespmem:v23+s10+$0x0], $0xffff  }
0x2a: {  	v6 =	vor.u32 v0, v6;
	v23 =	vor.u32 v2, v7;
	v15 =	vld.idx.msk [tilespmem:v15+s10+$0x0], $0xffff  }
0x2b: {  	v25 =	vor.u32 v6, v13;
	[tilespmem:s17+$0x10] =	vst v16;
	v16 =	vld.idx.msk [tilespmem:v17+s10+$0x0], $0xffff  }
0x2c: {  	v26 =	vor.u32 v6, v14;
	v17 =	vld.idx.msk [tilespmem:v24+s10+$0x0], $0xffff  }
0x2d: {  	s30 =	simm.s32 $0xA;
	[tilespmem:s17+$0xFFFFFF10] =	vst v18;
	v18 =	vld.idx.msk [tilespmem:v20+s10+$0x0], $0xffff;
	v20 =	vor.u32 v3, v9  }
0x2e: {  	v24 =	vor.u32 v3, v4;
	v14 =	vld.idx.msk [tilespmem:v19+s10+$0x0], $0xffff;
	v19 =	vmov s30  }
0x2f: {  	s15 =	sshll.u32 s14, $0xD;
	v13 =	vld.idx.msk [tilespmem:v23+s10+$0x0], $0xffff;
	[tilespmem:s17+$0xA0] =	vst v21;
	v23 =	vand.u32 $0x7E, v19;
	v21 =	vor.u32 v3, v1  }
0x30: {  	s19 =	simm.s32 $0x8;
	s18 =	sadd.s32 $0x200, s17;
	s31 =	sand.u32 $0x2000, s15;
	[tilespmem:s17+$0xFFFFFFA0] =	vst v15;
	v19 =	vld.idx.msk [tilespmem:v25+s10+$0x0], $0xffff;
	v15 =	vbroadcast v23, $0x0;
	v23 =	vor.u32 v3, v10  }
0x31: {  	s20 =	simm.s32 $0xC;
	s21 =	simm.s32 $0xB;
	s16 =	sadd.s32 $0x12280, s31;
	v22 =	vor.u32 v6, v22;
	[tilespmem:s18+$0x80] =	vst v16;
	v16 =	vld.idx.msk [tilespmem:v26+s10+$0x0], $0xffff  }
.LBB2_3:
0x32: {  	p1 =	slt.u32 s20, $0x3C;
	v25 =	vor.u32 v2, v15;
	v26 =	vmov s21;
	[tilespmem:s18+$0xFFFFFF80] =	vst v11;
	v20 =	vld.idx.msk [tilespmem:v20+s10+$0x0], $0xffff;
	v27 =	vmov v15  }
0x33: {  	v29 =	vand.u32 $0x7F, v26;
	v15 =	vld.idx.msk [tilespmem:v24+s10+$0x0], $0xffff;
	[tilespmem:s18+$0x0] =	vst v12;
	v24 =	vor.u32 v6, v8;
	v8 =	vmov v10  }
0x34: {  	v26 =	vbroadcast v29, $0x0;
	[tilespmem:s18+$0xFFFFFF00] =	vst v18;
	v18 =	vld.idx.msk [tilespmem:v21+s10+$0x0], $0xffff;
	v21 =	vor.u32 v5, v9  }
0x35: {  	s21 =	sadd.s32 $0x1, s20;
	v28 =	vor.u32 v5, v4;
	v10 =	vmov s19;
	s19 =	smov.u32 s20;
	v11 =	vmov v13;
	v23 =	vld.idx.msk [tilespmem:v23+s10+$0x0], $0xffff;
	[tilespmem:s17+$0x20] =	vst v17  }
0x36: {  	v12 =	vmov s21;
	v10 =	vand.u32 $0x7C, v10;
	v13 =	vor.u32 v2, v26;
	v22 =	vld.idx.msk [tilespmem:v22+s10+$0x0], $0xffff;
	[tilespmem:s17+$0xB0] =	vst v19  }
0x37: {  	v17 =	vand.u32 $0x7D, v12;
	v10 =	vbroadcast v10, $0x0;
	v19 =	vor.u32 v5, v1;
	v12 =	vld.idx.msk [tilespmem:v25+s10+$0x0], $0xffff;
	[tilespmem:s17+$0xFFFFFF20] =	vst v14  }
0x38: {  	v14 =	vbroadcast v17, $0x0;
	v25 =	vor.u32 v5, v8;
	[tilespmem:s18+$0x90] =	vst v20;
	v29 =	vld.idx.msk [tilespmem:v24+s10+$0x0], $0xffff  }
0x39: {  	v24 =	vor.u32 v2, v10;
	[tilespmem:s18+$0xFFFFFF90] =	vst v15;
	v15 =	vld.idx.msk [tilespmem:v21+s10+$0x0], $0xffff  }
0x3a: {  	v21 =	vor.u32 v2, v14;
	v28 =	vld.idx.msk [tilespmem:v28+s10+$0x0], $0xffff;
	[tilespmem:s18+$0x10] =	vst v18  }
0x3b: {  	v31 =	vor.u32 v6, v9;
	v9 =	vmov v26;
	v30 =	vld.idx.msk [tilespmem:v13+s10+$0x0], $0xffff;
	[tilespmem:s18+$0xFFFFFF10] =	vst v23  }
0x3c: {  	v26 =	vor.u32 v6, v4;
	v4 =	vmov v7;
	v7 =	vmov v14;
	v17 =	vld.idx.msk [tilespmem:v19+s10+$0x0], $0xffff;
	[tilespmem:s17+$0xFFFFFFB0] =	vst v16  }
.Ltmp0:
0x3d: {  	s21 =	sadd.s32 $0x2, s20;
	v20 =	vor.u32 v3, v9;
	v14 =	vld.idx.msk [tilespmem:v25+s10+$0x0], $0xffff;
	[tilespmem:s17+$0x30] =	vst v22;
	(pc) =	sbr.rel @p1 .LBB2_3-.Ltmp0, $4  }
0x3e: {  	v16 =	vmov s21;
	v18 =	vld.idx.msk [tilespmem:v24+s10+$0x0], $0xffff;
	v24 =	vor.u32 v3, v4;
	[tilespmem:s17+$0xFFFFFF30] =	vst v29;
	s17 =	smov.u32 s18  }
0x3f: {  	v16 =	vand.u32 $0x7E, v16;
	v13 =	vld.idx.msk [tilespmem:v21+s10+$0x0], $0xffff;
	v21 =	vor.u32 v3, v27;
	[tilespmem:s18+$0xA0] =	vst v15  }
0x40: {  	v23 =	vor.u32 v3, v10;
	v15 =	vbroadcast v16, $0x0;
	s18 =	sadd.s32 $0x200, s18;
	[tilespmem:s17+$0xFFFFFFA0] =	vst v28;
	v19 =	vld.idx.msk [tilespmem:v31+s10+$0x0], $0xffff  }
0x41: {  	s20 =	sadd.s32 $0x4, s20;
	s21 =	sadd.s32 $0x3, s19;
	v22 =	vor.u32 v6, v1;
	v1 =	vmov v27;
	[tilespmem:s18+$0x80] =	vst v30;
	v16 =	vld.idx.msk [tilespmem:v26+s10+$0x0], $0xffff  }
0x42: {  	_ = 	snop  }
0x43: {  	[tilespmem:s18+$0xFFFFFF80] =	vst v11  }
0x44: {  	v32 =	vmov s21;
	[tilespmem:s18+$0x0] =	vst v12  }
0x45: {  	[tilespmem:s17+$0x20] =	vst v17;
	v36 =	vmov s19;
	v11 =	vand.u32 $0x7F, v32  }
0x46: {  	v20 =	vld.idx.msk [tilespmem:v20+s10+$0x0], $0xffff;
	v8 =	vor.u32 v6, v8;
	[tilespmem:s17+$0xFFFFFF20] =	vst v14;
	v17 =	vand.u32 $0x7C, v36;
	v11 =	vbroadcast v11, $0x0  }
0x47: {  	v40 =	vor.u32 v2, v15;
	s31 =	sadd.s32 $0x200, s18;
	v33 =	vld.idx.msk [tilespmem:v24+s10+$0x0], $0xffff;
	[tilespmem:s18+$0xFFFFFF00] =	vst v18;
	v17 =	vbroadcast v17, $0x0  }
0x48: {  	v34 =	vld.idx.msk [tilespmem:v21+s10+$0x0], $0xffff;
	[tilespmem:s31+$0xFFFFFF80] =	vst v13;
	v38 =	vor.u32 v2, v11  }
0x49: {  	v39 =	vld.idx.msk [tilespmem:v22+s10+$0x0], $0xffff;
	[tilespmem:s17+$0xB0] =	vst v19;
	v2 =	vor.u32 v2, v17  }
0x4a: {  	v47 =	vor.u32 v3, v7;
	v23 =	vld.idx.msk [tilespmem:v23+s10+$0x0], $0xffff;
	[tilespmem:s17+$0xFFFFFFB0] =	vst v16  }
0x4b: {  	v35 =	vor.u32 v5, v9;
	[tilespmem:s18+$0x90] =	vst v20;
	v8 =	vld.idx.msk [tilespmem:v8+s10+$0x0], $0xffff  }
0x4c: {  	v37 =	vor.u32 v5, v4;
	v46 =	vld.idx.msk [tilespmem:v40+s10+$0x0], $0xffff;
	[tilespmem:s18+$0xFFFFFF90] =	vst v33  }
0x4d: {  	v42 =	vor.u32 v5, v1;
	[tilespmem:s18+$0x10] =	vst v34;
	v19 =	vld.idx.msk [tilespmem:v38+s10+$0x0], $0xffff  }
0x4e: {  	v48 =	vor.u32 v3, v15;
	[tilespmem:s17+$0x30] =	vst v39;
	v2 =	vld.idx.msk [tilespmem:v2+s10+$0x0], $0xffff  }
0x4f: {  	v45 =	vor.u32 v3, v11;
	v53 =	vld.idx.msk [tilespmem:v47+s10+$0x0], $0xffff;
	[tilespmem:s18+$0xFFFFFF10] =	vst v23  }
0x50: {  	v3 =	vor.u32 v3, v17;
	v41 =	vld.idx.msk [tilespmem:v35+s10+$0x0], $0xffff;
	[tilespmem:s17+$0xFFFFFF30] =	vst v8  }
0x51: {  	v50 =	vor.u32 v5, v10;
	v43 =	vld.idx.msk [tilespmem:v37+s10+$0x0], $0xffff;
	[tilespmem:s31+$0x0] =	vst v46  }
0x52: {  	v55 =	vor.u32 v5, v7;
	v49 =	vld.idx.msk [tilespmem:v42+s10+$0x0], $0xffff;
	[tilespmem:s31+$0x80] =	vst v19  }
0x53: {  	v44 =	vor.u32 v6, v9;
	[tilespmem:s31+$0xFFFFFF00] =	vst v2;
	v2 =	vld.idx.msk [tilespmem:v48+s10+$0x0], $0xffff  }
0x54: {  	v51 =	vor.u32 v6, v4;
	[tilespmem:s31+$0xFFFFFF90] =	vst v53;
	v52 =	vld.idx.msk [tilespmem:v45+s10+$0x0], $0xffff  }
0x55: {  	v56 =	vor.u32 v5, v15;
	[tilespmem:s18+$0xA0] =	vst v41;
	v3 =	vld.idx.msk [tilespmem:v3+s10+$0x0], $0xffff  }
0x56: {  	v54 =	vor.u32 v5, v11;
	v18 =	vld.idx.msk [tilespmem:v50+s10+$0x0], $0xffff;
	[tilespmem:s18+$0xFFFFFFA0] =	vst v43  }
0x57: {  	v57 =	vor.u32 v5, v17;
	v8 =	vld.idx.msk [tilespmem:v55+s10+$0x0], $0xffff;
	[tilespmem:s18+$0x20] =	vst v49  }
0x58: {  	v1 =	vor.u32 v6, v1;
	v9 =	vld.idx.msk [tilespmem:v44+s10+$0x0], $0xffff;
	[tilespmem:s31+$0x10] =	vst v2  }
0x59: {  	v58 =	vor.u32 v6, v10;
	v4 =	vld.idx.msk [tilespmem:v51+s10+$0x0], $0xffff;
	[tilespmem:s31+$0x90] =	vst v52  }
0x5a: {  	[tilespmem:s31+$0xFFFFFF10] =	vst v3;
	v3 =	vor.u32 v6, v7;
	v60 =	vld.idx.msk [tilespmem:v56+s10+$0x0], $0xffff  }
0x5b: {  	v61 =	vor.u32 v6, v15;
	[tilespmem:s18+$0xFFFFFF20] =	vst v18;
	v59 =	vld.idx.msk [tilespmem:v54+s10+$0x0], $0xffff  }
0x5c: {  	[tilespmem:s31+$0xFFFFFFA0] =	vst v8;
	v2 =	vor.u32 v6, v11;
	v5 =	vld.idx.msk [tilespmem:v57+s10+$0x0], $0xffff  }
0x5d: {  	v62 =	vor.u32 v6, v17;
	v1 =	vld.idx.msk [tilespmem:v1+s10+$0x0], $0xffff;
	[tilespmem:s18+$0xB0] =	vst v9  }
0x5e: {  	v63 =	vld.idx.msk [tilespmem:v58+s10+$0x0], $0xffff;
	[tilespmem:s18+$0xFFFFFFB0] =	vst v4  }
0x5f: {  	v3 =	vld.idx.msk [tilespmem:v3+s10+$0x0], $0xffff;
	[tilespmem:s31+$0x20] =	vst v60  }
0x60: {  	[tilespmem:s31+$0xA0] =	vst v59;
	v7 =	vld.idx.msk [tilespmem:v61+s10+$0x0], $0xffff  }
0x61: {  	[tilespmem:s31+$0xFFFFFF20] =	vst v5;
	v2 =	vld.idx.msk [tilespmem:v2+s10+$0x0], $0xffff  }
0x62: {  	[tilespmem:s18+$0x30] =	vst v1;
	v1 =	vld.idx.msk [tilespmem:v62+s10+$0x0], $0xffff  }
0x63: {  	[tilespmem:s18+$0xFFFFFF30] =	vst v63  }
0x64: {  	[tilespmem:s31+$0xFFFFFFB0] =	vst v3  }
0x65: {  	s15 =	sadd.s32 s6, s15;
	[tilespmem:s31+$0x30] =	vst v7  }
0x66: {  	p1 =	seq.s32 s14, $0x0;
	s14 =	sadd.s32 $0x1, s14;
	s15 =	sshrl.u32 s15, $0x3;
	[tilespmem:s31+$0xB0] =	vst v2  }
0x67: {  	p2 =	sne.s32 s14, $0x9;
	s15 =	sadd.s32 s2, s15;
	[tilespmem:s31+$0xFFFFFF30] =	vst v1  }
0x68: {  	[hbm4b:s15+s3] =	stream.linear.scatter [tilespmem:s16], [sflag:$0x2], $0x2000, $0x38;
	[tilespmem:$0x16280] =	vst v63  }
.Ltmp1:
0x69: {  	_ = 	snop;
	(pc) =	sbr.rel @p2 .LBB2_2-.Ltmp1, $4  }
0x6a: {  	s15 =	simm.s32 @!p1 $0x2  }
0x6b: {  	_ =	swait.ge @!p1 [sflag:s15], $0x2000  }
0x6c: {  	[sflag:s15] =	ssyncset.done @!p1 $0x0  }
0x6d: {  	p0 =	por !p0, !p0;
	[sflag:s15] =	ssyncadd.s32 @!p1 $0xFFFFE000  }
0x6e: {  	s13 =	sadd.s32 $0x1, s13  }
0x6f: {  	p0 =	sne.s32 s13, s7  }
.Ltmp2:
0x70: {  	_ = 	snop;
	(pc) =	sbr.rel @p0 .LBB2_1-.Ltmp2, $4  }
0x71: {  	_ = 	snop  }
0x72: {  	_ =	swait.ge [sflag:s12], $0x2000  }
0x73: {  	[sflag:s12] =	ssyncset.done $0x0  }
0x74: {  	[sflag:s12] =	ssyncadd.s32 $0xFFFFE000  }
0x75: {  	_ =	sfence.sel $0x180000  }
0x76: {  	[bflag:$0x0] =	sbarrier.arrive $0xFFFF  }
0x77: {  	p0 =	sne.s32 s1, $0x0;
	_ =	strace $0x90000047  }
0x78: {  	s0 =	sadd.s32 @!p0 $0x100000, s0;
	[bflag:$0x2] =	sbarrier.arrive $0xFFFF  }
0x79: {  	[sflag:s0] =	ssyncadd.tile.s32 @!p0 $0x1;
	_ =	shalt  }
.Lfunc_end2:
_tile_overlayer_lowered:
.L_overlay_start_2:
0x7a: {  	(tag) =	ssettag $0x2  }
0x7b: {  	s0 =	rddreg [dreg:$0x0];
	s2 =	stileid.u32  }
0x7c: {  	s1 =	rddreg [dreg:$0x1];
	p0 =	sne.s32 s2, $0x0  }
0x7d: {  	s3 =	rddreg [dreg:$0x2];
	[bflag:$0x3] =	sbarrier.arrive $0xFFFF;
	s2 =	simm.s32 @!p0 $0x1C03  }
0x7e: {  	[timem:s3], [sflag:s2] =	dma.local @!p0 [hbm:s0], s1  }
0x7f: {  	s0 =	simm.s32 @!p0 $0x3  }
0x80: {  	_ =	swait.ge @!p0 [sflag:s0], s1  }
0x81: {  	s1 =	ssub.s32 @!p0 $0x0, s1;
	[sflag:s0] =	ssyncset.done @!p0 $0x0  }
0x82: {  	[sflag:s0] =	ssyncadd.s32 @!p0 s1  }
0x83: {  	[bflag:$0x3] =	sbarrier.arrive $0xFFFF  }
0x84: {  	_ =	shalt  }

</sc_bundles>
